<compile_context>
chip_gen: v7x
topology: tpu7x:2x2x1
jax: 0.10.2.dev20260603
libtpu: 0.0.44.dev20260713+nightly
codegen_flags: <defaults>
</compile_context>

<pallas_src>
import functools

import jax
import jax.numpy as jnp
from jax import lax
from jax.experimental import pallas as pl
from jax.experimental.pallas import tpu as pltpu
from jax.experimental.pallas import tpu_sc as plsc

_BATCH = 16384
_NUM_WORKERS = 32
_IDS_PER_WORKER = _BATCH // _NUM_WORKERS
_CHUNKS = 4
_CHUNK = _IDS_PER_WORKER // _CHUNKS


def _gather_body(rgb_hbm, ir_hbm, table_v_hbm, table_r_hbm,
                 out_v_hbm, out_r_hbm,
                 idx_v, idx_r, rows_v, rows_r, sem_i, sem_gv, sem_gr, sem_o):
    wid = lax.axis_index("s") * 2 + lax.axis_index("c")
    sl = pl.ds(wid * _IDS_PER_WORKER, _IDS_PER_WORKER)
    cp_iv = pltpu.async_copy(rgb_hbm.at[sl], idx_v, sem_i)
    cp_ir = pltpu.async_copy(ir_hbm.at[sl], idx_r, sem_i)
    cp_iv.wait()
    gv = []
    for c in range(_CHUNKS):
        csl = pl.ds(c * _CHUNK, _CHUNK)
        gv.append(pltpu.async_copy(
            table_v_hbm.at[idx_v.at[csl]], rows_v.at[csl], sem_gv))
    cp_ir.wait()
    gr = []
    for c in range(_CHUNKS):
        csl = pl.ds(c * _CHUNK, _CHUNK)
        gr.append(pltpu.async_copy(
            table_r_hbm.at[idx_r.at[csl]], rows_r.at[csl], sem_gr))
    for cp in gv:
        cp.wait()
    cp_ov = pltpu.async_copy(rows_v, out_v_hbm.at[sl], sem_o)
    for cp in gr:
        cp.wait()
    cp_or = pltpu.async_copy(rows_r, out_r_hbm.at[sl], sem_o)
    cp_ov.wait()
    cp_or.wait()


@jax.jit
def kernel(rgb_ids, ir_ids, class_confidence_v, class_confidence_r):
    mesh = plsc.VectorSubcoreMesh(core_axis_name="c", subcore_axis_name="s")
    f = functools.partial(
        pl.kernel,
        mesh=mesh,
        out_type=(
            jax.ShapeDtypeStruct((_BATCH,), jnp.float32),
            jax.ShapeDtypeStruct((_BATCH,), jnp.float32),
        ),
        scratch_types=[
            pltpu.VMEM((_IDS_PER_WORKER,), jnp.int32),
            pltpu.VMEM((_IDS_PER_WORKER,), jnp.int32),
            pltpu.VMEM((_IDS_PER_WORKER,), jnp.float32),
            pltpu.VMEM((_IDS_PER_WORKER,), jnp.float32),
            pltpu.SemaphoreType.DMA,
            pltpu.SemaphoreType.DMA,
            pltpu.SemaphoreType.DMA,
            pltpu.SemaphoreType.DMA,
        ],
    )(_gather_body)
    return f(rgb_ids.astype(jnp.int32), ir_ids.astype(jnp.int32),
             class_confidence_v, class_confidence_r)

# --- scband reference (transcript-rebuilt; emitter-appended) ---
"""Pipeline reference for scband-prud-87625922773343 (READ-ONLY COPY).

The authoritative reference and input builder live on the scoring server;
editing this copy changes nothing except your own understanding.
"""

import jax, jax.numpy as jnp
import numpy as np

NUM_CLASSES = 100000
BATCH = 16384

def setup_inputs(seed: int = 0) -> dict:
    key = jax.random.key(seed)
    k1, k2, k3, k4 = jax.random.split(key, 4)
    rgb_ids = jax.random.randint(k1, (BATCH,), 0, NUM_CLASSES, dtype=jnp.int64 if jax.config.jax_enable_x64 else jnp.int32)
    ir_ids = jax.random.randint(k2, (BATCH,), 0, NUM_CLASSES, dtype=jnp.int64 if jax.config.jax_enable_x64 else jnp.int32)
    class_confidence_v = jax.random.uniform(k3, (NUM_CLASSES,), dtype=jnp.float32)
    class_confidence_r = jax.random.uniform(k4, (NUM_CLASSES,), dtype=jnp.float32)
    return {
        'rgb_ids': rgb_ids,
        'ir_ids': ir_ids,
        'class_confidence_v': class_confidence_v,
        'class_confidence_r': class_confidence_r,
    }

def reference(rgb_ids, ir_ids, class_confidence_v, class_confidence_r):
    # PRUD.get_distillation_weights with is_ready=True:
    # pure embedding-style gather of per-class confidence weights.
    weight_v = jnp.take(class_confidence_v, rgb_ids, axis=0)
    weight_r = jnp.take(class_confidence_r, ir_ids, axis=0)
    return (weight_v, weight_r)

if __name__ == "__main__":
    import jax
    _d = setup_inputs()
    print(jax.jit(kernel)(*tuple(_d.values())))

</pallas_src>

<mosaic_0001>
#map = affine_map<(d0, d1) -> (0)>
module attributes {stable_mosaic.version = 14 : i64} {
  func.func @_gather_body(%arg0: i32, %arg1: i32, %arg2: memref<16384xi32, #tpu.memory_space<hbm>>, %arg3: memref<16384xi32, #tpu.memory_space<hbm>>, %arg4: memref<100000xf32, #tpu.memory_space<hbm>>, %arg5: memref<100000xf32, #tpu.memory_space<hbm>>, %arg6: memref<16384xf32, #tpu.memory_space<hbm>>, %arg7: memref<16384xf32, #tpu.memory_space<hbm>>, %arg8: memref<512xi32, #tpu.memory_space<vmem>>, %arg9: memref<512xi32, #tpu.memory_space<vmem>>, %arg10: memref<512xf32, #tpu.memory_space<vmem>>, %arg11: memref<512xf32, #tpu.memory_space<vmem>>, %arg12: memref<!tpu.dma_semaphore, #tpu.memory_space<semaphore_mem>>, %arg13: memref<!tpu.dma_semaphore, #tpu.memory_space<semaphore_mem>>, %arg14: memref<!tpu.dma_semaphore, #tpu.memory_space<semaphore_mem>>, %arg15: memref<!tpu.dma_semaphore, #tpu.memory_space<semaphore_mem>>) attributes {dimension_semantics = [#tpu.dimension_semantics<core_parallel>, #tpu.dimension_semantics<subcore_parallel>], iteration_bounds = array<i64: 2, 16>, scalar_prefetch = 0 : i64, scratch_operands = 8 : i64, tpu.core_type = #tpu.core_type<sc_vector_subcore>, window_params = [{transform_indices = #map}, {transform_indices = #map}, {transform_indices = #map}, {transform_indices = #map}, {transform_indices = #map}, {transform_indices = #map}]} {
    %mul3A = arith.constant 2 : i32
    %mul3A_0 = arith.muli %arg1, %mul3A : i32
    %add3A = arith.addi %mul3A_0, %arg0 : i32
    %mul3A_1 = arith.constant 512 : i32
    %mul3A_2 = arith.muli %add3A, %mul3A_1 : i32
    %dma_start3A = tpu.memref_slice %arg2[%mul3A_2] : memref<16384xi32, #tpu.memory_space<hbm>> -> memref<512xi32, #tpu.memory_space<hbm>>
    %dma_start3A_3 = tpu.memref_slice %arg2[%mul3A_2] : memref<16384xi32, #tpu.memory_space<hbm>> -> memref<512xi32, #tpu.memory_space<hbm>>
    tpu.enqueue_dma source(%dma_start3A_3 : memref<512xi32, #tpu.memory_space<hbm>>) target(%arg8 : memref<512xi32, #tpu.memory_space<vmem>>) target_semaphore(%arg12 : memref<!tpu.dma_semaphore, #tpu.memory_space<semaphore_mem>>)
    %dma_start3A_4 = tpu.memref_slice %arg3[%mul3A_2] : memref<16384xi32, #tpu.memory_space<hbm>> -> memref<512xi32, #tpu.memory_space<hbm>>
    %dma_start3A_5 = tpu.memref_slice %arg3[%mul3A_2] : memref<16384xi32, #tpu.memory_space<hbm>> -> memref<512xi32, #tpu.memory_space<hbm>>
    tpu.enqueue_dma source(%dma_start3A_5 : memref<512xi32, #tpu.memory_space<hbm>>) target(%arg9 : memref<512xi32, #tpu.memory_space<vmem>>) target_semaphore(%arg12 : memref<!tpu.dma_semaphore, #tpu.memory_space<semaphore_mem>>)
    %dma_wait3A = tpu.memref_slice %arg2[%mul3A_2] : memref<16384xi32, #tpu.memory_space<hbm>> -> memref<512xi32, #tpu.memory_space<hbm>>
    %dma_wait3A_6 = tpu.memref_slice %arg2[%mul3A_2] : memref<16384xi32, #tpu.memory_space<hbm>> -> memref<512xi32, #tpu.memory_space<hbm>>
    tpu.wait_dma2 semaphore(%arg12 : memref<!tpu.dma_semaphore, #tpu.memory_space<semaphore_mem>>) src(%dma_wait3A_6 : memref<512xi32, #tpu.memory_space<hbm>>) dst(%arg8 : memref<512xi32, #tpu.memory_space<vmem>>)
    %dma_start3A_7 = arith.constant 0 : i32
    %dma_start3A_8 = tpu.memref_slice %arg10[%dma_start3A_7] : memref<512xf32, #tpu.memory_space<vmem>> -> memref<128xf32, #tpu.memory_space<vmem>>
    %dma_start3A_9 = arith.constant 0 : i32
    %dma_start3A_10 = tpu.memref_slice %arg8[%dma_start3A_9] : memref<512xi32, #tpu.memory_space<vmem>> -> memref<128xi32, #tpu.memory_space<vmem>>
    %dma_start3A_11 = arith.constant 0 : i32
    %dma_start3A_12 = tpu.memref_slice %arg4[%dma_start3A_11] : memref<100000xf32, #tpu.memory_space<hbm>> -> memref<100000xf32, #tpu.memory_space<hbm>>
    tpu.enqueue_indirect_dma source(%dma_start3A_12 : memref<100000xf32, #tpu.memory_space<hbm>>) target(%dma_start3A_8 : memref<128xf32, #tpu.memory_space<vmem>>) offsets(%dma_start3A_10 : memref<128xi32, #tpu.memory_space<vmem>>) semaphore(%arg13 : memref<!tpu.dma_semaphore, #tpu.memory_space<semaphore_mem>>)
    %dma_start3A_13 = arith.constant 128 : i32
    %dma_start3A_14 = tpu.memref_slice %arg10[%dma_start3A_13] : memref<512xf32, #tpu.memory_space<vmem>> -> memref<128xf32, #tpu.memory_space<vmem>>
    %dma_start3A_15 = arith.constant 128 : i32
    %dma_start3A_16 = tpu.memref_slice %arg8[%dma_start3A_15] : memref<512xi32, #tpu.memory_space<vmem>> -> memref<128xi32, #tpu.memory_space<vmem>>
    %dma_start3A_17 = arith.constant 0 : i32
    %dma_start3A_18 = tpu.memref_slice %arg4[%dma_start3A_17] : memref<100000xf32, #tpu.memory_space<hbm>> -> memref<100000xf32, #tpu.memory_space<hbm>>
    tpu.enqueue_indirect_dma source(%dma_start3A_18 : memref<100000xf32, #tpu.memory_space<hbm>>) target(%dma_start3A_14 : memref<128xf32, #tpu.memory_space<vmem>>) offsets(%dma_start3A_16 : memref<128xi32, #tpu.memory_space<vmem>>) semaphore(%arg13 : memref<!tpu.dma_semaphore, #tpu.memory_space<semaphore_mem>>)
    %dma_start3A_19 = arith.constant 256 : i32
    %dma_start3A_20 = tpu.memref_slice %arg10[%dma_start3A_19] : memref<512xf32, #tpu.memory_space<vmem>> -> memref<128xf32, #tpu.memory_space<vmem>>
    %dma_start3A_21 = arith.constant 256 : i32
    %dma_start3A_22 = tpu.memref_slice %arg8[%dma_start3A_21] : memref<512xi32, #tpu.memory_space<vmem>> -> memref<128xi32, #tpu.memory_space<vmem>>
    %dma_start3A_23 = arith.constant 0 : i32
    %dma_start3A_24 = tpu.memref_slice %arg4[%dma_start3A_23] : memref<100000xf32, #tpu.memory_space<hbm>> -> memref<100000xf32, #tpu.memory_space<hbm>>
    tpu.enqueue_indirect_dma source(%dma_start3A_24 : memref<100000xf32, #tpu.memory_space<hbm>>) target(%dma_start3A_20 : memref<128xf32, #tpu.memory_space<vmem>>) offsets(%dma_start3A_22 : memref<128xi32, #tpu.memory_space<vmem>>) semaphore(%arg13 : memref<!tpu.dma_semaphore, #tpu.memory_space<semaphore_mem>>)
    %dma_start3A_25 = arith.constant 384 : i32
    %dma_start3A_26 = tpu.memref_slice %arg10[%dma_start3A_25] : memref<512xf32, #tpu.memory_space<vmem>> -> memref<128xf32, #tpu.memory_space<vmem>>
    %dma_start3A_27 = arith.constant 384 : i32
    %dma_start3A_28 = tpu.memref_slice %arg8[%dma_start3A_27] : memref<512xi32, #tpu.memory_space<vmem>> -> memref<128xi32, #tpu.memory_space<vmem>>
    %dma_start3A_29 = arith.constant 0 : i32
    %dma_start3A_30 = tpu.memref_slice %arg4[%dma_start3A_29] : memref<100000xf32, #tpu.memory_space<hbm>> -> memref<100000xf32, #tpu.memory_space<hbm>>
    tpu.enqueue_indirect_dma source(%dma_start3A_30 : memref<100000xf32, #tpu.memory_space<hbm>>) target(%dma_start3A_26 : memref<128xf32, #tpu.memory_space<vmem>>) offsets(%dma_start3A_28 : memref<128xi32, #tpu.memory_space<vmem>>) semaphore(%arg13 : memref<!tpu.dma_semaphore, #tpu.memory_space<semaphore_mem>>)
    %dma_wait3A_31 = tpu.memref_slice %arg3[%mul3A_2] : memref<16384xi32, #tpu.memory_space<hbm>> -> memref<512xi32, #tpu.memory_space<hbm>>
    %dma_wait3A_32 = tpu.memref_slice %arg3[%mul3A_2] : memref<16384xi32, #tpu.memory_space<hbm>> -> memref<512xi32, #tpu.memory_space<hbm>>
    tpu.wait_dma2 semaphore(%arg12 : memref<!tpu.dma_semaphore, #tpu.memory_space<semaphore_mem>>) src(%dma_wait3A_32 : memref<512xi32, #tpu.memory_space<hbm>>) dst(%arg9 : memref<512xi32, #tpu.memory_space<vmem>>)
    %dma_start3A_33 = arith.constant 0 : i32
    %dma_start3A_34 = tpu.memref_slice %arg11[%dma_start3A_33] : memref<512xf32, #tpu.memory_space<vmem>> -> memref<128xf32, #tpu.memory_space<vmem>>
    %dma_start3A_35 = arith.constant 0 : i32
    %dma_start3A_36 = tpu.memref_slice %arg9[%dma_start3A_35] : memref<512xi32, #tpu.memory_space<vmem>> -> memref<128xi32, #tpu.memory_space<vmem>>
    %dma_start3A_37 = arith.constant 0 : i32
    %dma_start3A_38 = tpu.memref_slice %arg5[%dma_start3A_37] : memref<100000xf32, #tpu.memory_space<hbm>> -> memref<100000xf32, #tpu.memory_space<hbm>>
    tpu.enqueue_indirect_dma source(%dma_start3A_38 : memref<100000xf32, #tpu.memory_space<hbm>>) target(%dma_start3A_34 : memref<128xf32, #tpu.memory_space<vmem>>) offsets(%dma_start3A_36 : memref<128xi32, #tpu.memory_space<vmem>>) semaphore(%arg14 : memref<!tpu.dma_semaphore, #tpu.memory_space<semaphore_mem>>)
    %dma_start3A_39 = arith.constant 128 : i32
    %dma_start3A_40 = tpu.memref_slice %arg11[%dma_start3A_39] : memref<512xf32, #tpu.memory_space<vmem>> -> memref<128xf32, #tpu.memory_space<vmem>>
    %dma_start3A_41 = arith.constant 128 : i32
    %dma_start3A_42 = tpu.memref_slice %arg9[%dma_start3A_41] : memref<512xi32, #tpu.memory_space<vmem>> -> memref<128xi32, #tpu.memory_space<vmem>>
    %dma_start3A_43 = arith.constant 0 : i32
    %dma_start3A_44 = tpu.memref_slice %arg5[%dma_start3A_43] : memref<100000xf32, #tpu.memory_space<hbm>> -> memref<100000xf32, #tpu.memory_space<hbm>>
    tpu.enqueue_indirect_dma source(%dma_start3A_44 : memref<100000xf32, #tpu.memory_space<hbm>>) target(%dma_start3A_40 : memref<128xf32, #tpu.memory_space<vmem>>) offsets(%dma_start3A_42 : memref<128xi32, #tpu.memory_space<vmem>>) semaphore(%arg14 : memref<!tpu.dma_semaphore, #tpu.memory_space<semaphore_mem>>)
    %dma_start3A_45 = arith.constant 256 : i32
    %dma_start3A_46 = tpu.memref_slice %arg11[%dma_start3A_45] : memref<512xf32, #tpu.memory_space<vmem>> -> memref<128xf32, #tpu.memory_space<vmem>>
    %dma_start3A_47 = arith.constant 256 : i32
    %dma_start3A_48 = tpu.memref_slice %arg9[%dma_start3A_47] : memref<512xi32, #tpu.memory_space<vmem>> -> memref<128xi32, #tpu.memory_space<vmem>>
    %dma_start3A_49 = arith.constant 0 : i32
    %dma_start3A_50 = tpu.memref_slice %arg5[%dma_start3A_49] : memref<100000xf32, #tpu.memory_space<hbm>> -> memref<100000xf32, #tpu.memory_space<hbm>>
    tpu.enqueue_indirect_dma source(%dma_start3A_50 : memref<100000xf32, #tpu.memory_space<hbm>>) target(%dma_start3A_46 : memref<128xf32, #tpu.memory_space<vmem>>) offsets(%dma_start3A_48 : memref<128xi32, #tpu.memory_space<vmem>>) semaphore(%arg14 : memref<!tpu.dma_semaphore, #tpu.memory_space<semaphore_mem>>)
    %dma_start3A_51 = arith.constant 384 : i32
    %dma_start3A_52 = tpu.memref_slice %arg11[%dma_start3A_51] : memref<512xf32, #tpu.memory_space<vmem>> -> memref<128xf32, #tpu.memory_space<vmem>>
    %dma_start3A_53 = arith.constant 384 : i32
    %dma_start3A_54 = tpu.memref_slice %arg9[%dma_start3A_53] : memref<512xi32, #tpu.memory_space<vmem>> -> memref<128xi32, #tpu.memory_space<vmem>>
    %dma_start3A_55 = arith.constant 0 : i32
    %dma_start3A_56 = tpu.memref_slice %arg5[%dma_start3A_55] : memref<100000xf32, #tpu.memory_space<hbm>> -> memref<100000xf32, #tpu.memory_space<hbm>>
    tpu.enqueue_indirect_dma source(%dma_start3A_56 : memref<100000xf32, #tpu.memory_space<hbm>>) target(%dma_start3A_52 : memref<128xf32, #tpu.memory_space<vmem>>) offsets(%dma_start3A_54 : memref<128xi32, #tpu.memory_space<vmem>>) semaphore(%arg14 : memref<!tpu.dma_semaphore, #tpu.memory_space<semaphore_mem>>)
    %dma_wait3A_57 = arith.constant 0 : i32
    %dma_wait3A_58 = tpu.memref_slice %arg10[%dma_wait3A_57] : memref<512xf32, #tpu.memory_space<vmem>> -> memref<128xf32, #tpu.memory_space<vmem>>
    %dma_wait3A_59 = arith.constant 0 : i32
    %dma_wait3A_60 = tpu.memref_slice %arg8[%dma_wait3A_59] : memref<512xi32, #tpu.memory_space<vmem>> -> memref<128xi32, #tpu.memory_space<vmem>>
    %dma_wait3A_61 = arith.constant 0 : i32
    %dma_wait3A_62 = tpu.memref_slice %arg4[%dma_wait3A_61] : memref<100000xf32, #tpu.memory_space<hbm>> -> memref<100000xf32, #tpu.memory_space<hbm>>
    tpu.wait_indirect_dma semaphore(%arg13 : memref<!tpu.dma_semaphore, #tpu.memory_space<semaphore_mem>>) src(%dma_wait3A_62 : memref<100000xf32, #tpu.memory_space<hbm>>) dst(%dma_wait3A_58 : memref<128xf32, #tpu.memory_space<vmem>>)
    %dma_wait3A_63 = arith.constant 128 : i32
    %dma_wait3A_64 = tpu.memref_slice %arg10[%dma_wait3A_63] : memref<512xf32, #tpu.memory_space<vmem>> -> memref<128xf32, #tpu.memory_space<vmem>>
    %dma_wait3A_65 = arith.constant 128 : i32
    %dma_wait3A_66 = tpu.memref_slice %arg8[%dma_wait3A_65] : memref<512xi32, #tpu.memory_space<vmem>> -> memref<128xi32, #tpu.memory_space<vmem>>
    %dma_wait3A_67 = arith.constant 0 : i32
    %dma_wait3A_68 = tpu.memref_slice %arg4[%dma_wait3A_67] : memref<100000xf32, #tpu.memory_space<hbm>> -> memref<100000xf32, #tpu.memory_space<hbm>>
    tpu.wait_indirect_dma semaphore(%arg13 : memref<!tpu.dma_semaphore, #tpu.memory_space<semaphore_mem>>) src(%dma_wait3A_68 : memref<100000xf32, #tpu.memory_space<hbm>>) dst(%dma_wait3A_64 : memref<128xf32, #tpu.memory_space<vmem>>)
    %dma_wait3A_69 = arith.constant 256 : i32
    %dma_wait3A_70 = tpu.memref_slice %arg10[%dma_wait3A_69] : memref<512xf32, #tpu.memory_space<vmem>> -> memref<128xf32, #tpu.memory_space<vmem>>
    %dma_wait3A_71 = arith.constant 256 : i32
    %dma_wait3A_72 = tpu.memref_slice %arg8[%dma_wait3A_71] : memref<512xi32, #tpu.memory_space<vmem>> -> memref<128xi32, #tpu.memory_space<vmem>>
    %dma_wait3A_73 = arith.constant 0 : i32
    %dma_wait3A_74 = tpu.memref_slice %arg4[%dma_wait3A_73] : memref<100000xf32, #tpu.memory_space<hbm>> -> memref<100000xf32, #tpu.memory_space<hbm>>
    tpu.wait_indirect_dma semaphore(%arg13 : memref<!tpu.dma_semaphore, #tpu.memory_space<semaphore_mem>>) src(%dma_wait3A_74 : memref<100000xf32, #tpu.memory_space<hbm>>) dst(%dma_wait3A_70 : memref<128xf32, #tpu.memory_space<vmem>>)
    %dma_wait3A_75 = arith.constant 384 : i32
    %dma_wait3A_76 = tpu.memref_slice %arg10[%dma_wait3A_75] : memref<512xf32, #tpu.memory_space<vmem>> -> memref<128xf32, #tpu.memory_space<vmem>>
    %dma_wait3A_77 = arith.constant 384 : i32
    %dma_wait3A_78 = tpu.memref_slice %arg8[%dma_wait3A_77] : memref<512xi32, #tpu.memory_space<vmem>> -> memref<128xi32, #tpu.memory_space<vmem>>
    %dma_wait3A_79 = arith.constant 0 : i32
    %dma_wait3A_80 = tpu.memref_slice %arg4[%dma_wait3A_79] : memref<100000xf32, #tpu.memory_space<hbm>> -> memref<100000xf32, #tpu.memory_space<hbm>>
    tpu.wait_indirect_dma semaphore(%arg13 : memref<!tpu.dma_semaphore, #tpu.memory_space<semaphore_mem>>) src(%dma_wait3A_80 : memref<100000xf32, #tpu.memory_space<hbm>>) dst(%dma_wait3A_76 : memref<128xf32, #tpu.memory_space<vmem>>)
    %dma_start3A_81 = tpu.memref_slice %arg6[%mul3A_2] : memref<16384xf32, #tpu.memory_space<hbm>> -> memref<512xf32, #tpu.memory_space<hbm>>
    %dma_start3A_82 = tpu.memref_slice %arg6[%mul3A_2] : memref<16384xf32, #tpu.memory_space<hbm>> -> memref<512xf32, #tpu.memory_space<hbm>>
    tpu.enqueue_dma source(%arg10 : memref<512xf32, #tpu.memory_space<vmem>>) target(%dma_start3A_82 : memref<512xf32, #tpu.memory_space<hbm>>) target_semaphore(%arg15 : memref<!tpu.dma_semaphore, #tpu.memory_space<semaphore_mem>>)
    %dma_wait3A_83 = arith.constant 0 : i32
    %dma_wait3A_84 = tpu.memref_slice %arg11[%dma_wait3A_83] : memref<512xf32, #tpu.memory_space<vmem>> -> memref<128xf32, #tpu.memory_space<vmem>>
    %dma_wait3A_85 = arith.constant 0 : i32
    %dma_wait3A_86 = tpu.memref_slice %arg9[%dma_wait3A_85] : memref<512xi32, #tpu.memory_space<vmem>> -> memref<128xi32, #tpu.memory_space<vmem>>
    %dma_wait3A_87 = arith.constant 0 : i32
    %dma_wait3A_88 = tpu.memref_slice %arg5[%dma_wait3A_87] : memref<100000xf32, #tpu.memory_space<hbm>> -> memref<100000xf32, #tpu.memory_space<hbm>>
    tpu.wait_indirect_dma semaphore(%arg14 : memref<!tpu.dma_semaphore, #tpu.memory_space<semaphore_mem>>) src(%dma_wait3A_88 : memref<100000xf32, #tpu.memory_space<hbm>>) dst(%dma_wait3A_84 : memref<128xf32, #tpu.memory_space<vmem>>)
    %dma_wait3A_89 = arith.constant 128 : i32
    %dma_wait3A_90 = tpu.memref_slice %arg11[%dma_wait3A_89] : memref<512xf32, #tpu.memory_space<vmem>> -> memref<128xf32, #tpu.memory_space<vmem>>
    %dma_wait3A_91 = arith.constant 128 : i32
    %dma_wait3A_92 = tpu.memref_slice %arg9[%dma_wait3A_91] : memref<512xi32, #tpu.memory_space<vmem>> -> memref<128xi32, #tpu.memory_space<vmem>>
    %dma_wait3A_93 = arith.constant 0 : i32
    %dma_wait3A_94 = tpu.memref_slice %arg5[%dma_wait3A_93] : memref<100000xf32, #tpu.memory_space<hbm>> -> memref<100000xf32, #tpu.memory_space<hbm>>
    tpu.wait_indirect_dma semaphore(%arg14 : memref<!tpu.dma_semaphore, #tpu.memory_space<semaphore_mem>>) src(%dma_wait3A_94 : memref<100000xf32, #tpu.memory_space<hbm>>) dst(%dma_wait3A_90 : memref<128xf32, #tpu.memory_space<vmem>>)
    %dma_wait3A_95 = arith.constant 256 : i32
    %dma_wait3A_96 = tpu.memref_slice %arg11[%dma_wait3A_95] : memref<512xf32, #tpu.memory_space<vmem>> -> memref<128xf32, #tpu.memory_space<vmem>>
    %dma_wait3A_97 = arith.constant 256 : i32
    %dma_wait3A_98 = tpu.memref_slice %arg9[%dma_wait3A_97] : memref<512xi32, #tpu.memory_space<vmem>> -> memref<128xi32, #tpu.memory_space<vmem>>
    %dma_wait3A_99 = arith.constant 0 : i32
    %dma_wait3A_100 = tpu.memref_slice %arg5[%dma_wait3A_99] : memref<100000xf32, #tpu.memory_space<hbm>> -> memref<100000xf32, #tpu.memory_space<hbm>>
    tpu.wait_indirect_dma semaphore(%arg14 : memref<!tpu.dma_semaphore, #tpu.memory_space<semaphore_mem>>) src(%dma_wait3A_100 : memref<100000xf32, #tpu.memory_space<hbm>>) dst(%dma_wait3A_96 : memref<128xf32, #tpu.memory_space<vmem>>)
    %dma_wait3A_101 = arith.constant 384 : i32
    %dma_wait3A_102 = tpu.memref_slice %arg11[%dma_wait3A_101] : memref<512xf32, #tpu.memory_space<vmem>> -> memref<128xf32, #tpu.memory_space<vmem>>
    %dma_wait3A_103 = arith.constant 384 : i32
    %dma_wait3A_104 = tpu.memref_slice %arg9[%dma_wait3A_103] : memref<512xi32, #tpu.memory_space<vmem>> -> memref<128xi32, #tpu.memory_space<vmem>>
    %dma_wait3A_105 = arith.constant 0 : i32
    %dma_wait3A_106 = tpu.memref_slice %arg5[%dma_wait3A_105] : memref<100000xf32, #tpu.memory_space<hbm>> -> memref<100000xf32, #tpu.memory_space<hbm>>
    tpu.wait_indirect_dma semaphore(%arg14 : memref<!tpu.dma_semaphore, #tpu.memory_space<semaphore_mem>>) src(%dma_wait3A_106 : memref<100000xf32, #tpu.memory_space<hbm>>) dst(%dma_wait3A_102 : memref<128xf32, #tpu.memory_space<vmem>>)
    %dma_start3A_107 = tpu.memref_slice %arg7[%mul3A_2] : memref<16384xf32, #tpu.memory_space<hbm>> -> memref<512xf32, #tpu.memory_space<hbm>>
    %dma_start3A_108 = tpu.memref_slice %arg7[%mul3A_2] : memref<16384xf32, #tpu.memory_space<hbm>> -> memref<512xf32, #tpu.memory_space<hbm>>
    tpu.enqueue_dma source(%arg11 : memref<512xf32, #tpu.memory_space<vmem>>) target(%dma_start3A_108 : memref<512xf32, #tpu.memory_space<hbm>>) target_semaphore(%arg15 : memref<!tpu.dma_semaphore, #tpu.memory_space<semaphore_mem>>)
    %dma_wait3A_109 = tpu.memref_slice %arg6[%mul3A_2] : memref<16384xf32, #tpu.memory_space<hbm>> -> memref<512xf32, #tpu.memory_space<hbm>>
    %dma_wait3A_110 = tpu.memref_slice %arg6[%mul3A_2] : memref<16384xf32, #tpu.memory_space<hbm>> -> memref<512xf32, #tpu.memory_space<hbm>>
    tpu.wait_dma2 semaphore(%arg15 : memref<!tpu.dma_semaphore, #tpu.memory_space<semaphore_mem>>) src(%arg10 : memref<512xf32, #tpu.memory_space<vmem>>) dst(%dma_wait3A_110 : memref<512xf32, #tpu.memory_space<hbm>>)
    %dma_wait3A_111 = tpu.memref_slice %arg7[%mul3A_2] : memref<16384xf32, #tpu.memory_space<hbm>> -> memref<512xf32, #tpu.memory_space<hbm>>
    %dma_wait3A_112 = tpu.memref_slice %arg7[%mul3A_2] : memref<16384xf32, #tpu.memory_space<hbm>> -> memref<512xf32, #tpu.memory_space<hbm>>
    tpu.wait_dma2 semaphore(%arg15 : memref<!tpu.dma_semaphore, #tpu.memory_space<semaphore_mem>>) src(%arg11 : memref<512xf32, #tpu.memory_space<vmem>>) dst(%dma_wait3A_112 : memref<512xf32, #tpu.memory_space<hbm>>)
    return
  }
}

</mosaic_0001>

<sc_bundles>
// kernel: kernel.3.cloned.1.call-start
scs
__scs_entry_jumppad:
0x0: {  	(pc) =	sbr.rel $0x88, $3  }
0x1: {  	(tag) =	ssettag $0x0;
	lr =	simm.s32 $0x1  }
0x2: {  	[smem:$0x3F9D] =	sst lr;
	_ =	strace $0xD0000000  }
0x3: {  	_ = 	snop  }
0x4: {  	_ = 	snop  }
0x5: {  	_ = 	snop  }
0x6: {  	_ = 	snop  }
0x7: {  	_ = 	snop  }
__scs_overlays_trampoline_lowered:
0x8: {  	[smem:$0x3FAC] =	sst s0  }
0x9: {  	[smem:$0x3FAD] =	sst s1  }
0xa: {  	[smem:$0x3FAE] =	sst s2  }
0xb: {  	[smem:$0x3FAF] =	sst s3  }
0xc: {  	[smem:$0x3FB0] =	sst s4  }
0xd: {  	[smem:$0x3FB1] =	sst s5  }
0xe: {  	[smem:$0x3FB2] =	sst s6  }
0xf: {  	[smem:$0x3FB3] =	sst s7  }
0x10: {  	[smem:$0x3FB4] =	sst s8  }
0x11: {  	[smem:$0x3FB5] =	sst s9;
	s0 =	simm.s32 @!p0 $0x0  }
0x12: {  	s1 =	sld [smem:$0x3F9B];
	s0 =	simm.s32 @p0 $0x1  }
0x13: {  	[smem:$0x3FB6] =	sst s0;
	s0 =	simm.s32 @!p1 $0x0  }
0x14: {  	s2 =	sld [smem:$0x3F9A];
	s0 =	simm.s32 @p1 $0x1  }
0x15: {  	[smem:$0x3FB7] =	sst s0;
	s0 =	simm.s32 @!p2 $0x0  }
0x16: {  	s3 =	sld [smem:$0x3FDB];
	s0 =	simm.s32 @p2 $0x1  }
0x17: {  	s4 =	simm.s32 $0x1BF5;
	[smem:$0x3FB9] =	sst s0  }
0x18: {  	s0 =	sld [smem:$0x3F9C];
	_ =	swait.ge [sflag:s4], $0x0  }
0x19: {  	s7 =	sld [smem:$0x3F9D]  }
0x1a: {  	s8 =	sadd.s32 $0xFFFFE003, lr  }
0x1b: {  	s9 =	sadd.s32 $0xFFFFFEF7, lr;
	s5 =	simm.s32 $0xFFFFFFFF;
	p2 =	slt.u32 s8, $0xFFFFF086  }
0x1c: {  	p1 =	slt.u32 s9, $0xF7A;
	s5 =	simm.s32 @!p2 $0x0  }
0x1d: {  	s5 =	simm.s32 @p1 $0x1;
	p0 =	seq.s32 s7, s2  }
0x1e: {  	s7 =	smul.u32 @!p0 $0xF7A, s2;
	p2 =	seq.s32 @!p0 s5, $0x0  }
0x1f: {  	s9 =	smul.u32 $0xF7A, s1;
	s8 =	simm.s32 @!p0 $0x1BF5;
	p2 =	por !p2, p0  }
0x20: {  	[sflag:s8] =	ssyncset.s32 @!p0 $0xFFFFF086;
	s6 =	sadd.s32 @!p0 s3, s7;
	s7 =	simm.s32 @!p0 $0x108  }
0x21: {  	s3 =	sadd.s32 s3, s9;
	s6 =	sadd.s32 @!p0 $0x88, s6;
	s7 =	simm.s32 @p2 $0x1082  }
0x22: {  	[simem:s7], [sflag:s8] =	dma.local @!p0 [hbm:s6], $0xF7A  }
0x23: {  	s9 =	sor.u32 $0xD0000000, s2;
	s6 =	simm.s32 $0x108;
	_ =	swait.ge @!p0 [sflag:s8], $0x0  }
0x24: {  	s3 =	sadd.s32 $0x88, s3;
	s6 =	simm.s32 @!p1 $0x1082;
	[sflag:s4] =	ssyncset.s32 $0xFFFFF086  }
0x25: {  	[simem:s6], [sflag:s4] =	dma.local [hbm:s3], $0xF7A  }
0x26: {  	[smem:$0x3F9D] =	sst s1;
	(tag) =	ssettag s2;
	_ =	strace s9  }
0x27: {  	s1 =	sld [smem:$0x3FAD]  }
0x28: {  	s2 =	sld [smem:$0x3FAE]  }
0x29: {  	s4 =	sld [smem:$0x3FB0]  }
0x2a: {  	p0 =	seq.s32 s5, $0x0;
	s5 =	sld [smem:$0x3FB1]  }
0x2b: {  	s6 =	sld [smem:$0x3FB2]  }
0x2c: {  	s7 =	sld [smem:$0x3FB3]  }
0x2d: {  	s3 =	simm.s32 $0x108;
	s8 =	sld [smem:$0x3FB4]  }
0x2e: {  	s3 =	simm.s32 @!p0 $0x1082;
	s9 =	sld [smem:$0x3FB5]  }
0x2f: {  	lr =	sadd.s32 s0, s3;
	s0 =	sld [smem:$0x3FAC]  }
0x30: {  	s3 =	sld [smem:$0x3FAF]  }
0x31: {  	[smem:$0x3FB8] =	sst s10  }
0x32: {  	s10 =	sld [smem:$0x3FB6];
	_ =	sdelay $0x3  }
0x33: {  	p0 =	seq.s32 s10, $0x1;
	s10 =	sld [smem:$0x3FB8];
	_ =	sdelay $0x3  }
0x34: {  	[smem:$0x3FB8] =	sst s10  }
0x35: {  	s10 =	sld [smem:$0x3FB7];
	_ =	sdelay $0x3  }
0x36: {  	p1 =	seq.s32 s10, $0x1;
	s10 =	sld [smem:$0x3FB8];
	_ =	sdelay $0x3  }
0x37: {  	[smem:$0x3FB8] =	sst s10  }
0x38: {  	s10 =	sld [smem:$0x3FB9]  }
0x39: {  	_ = 	snop;
	(pc) =	sbr.ind lr, $3  }
0x3a: {  	_ = 	snop  }
0x3b: {  	_ = 	snop  }
0x3c: {  	p2 =	seq.s32 s10, $0x1;
	s10 =	sld [smem:$0x3FB8]  }
0x3d: {  	_ =	shalt  }
0x3e: {  	_ =	shalt  }
0x3f: {  	_ =	shalt  }
0x40: {  	_ =	shalt  }
0x41: {  	_ =	shalt  }
0x42: {  	_ =	shalt  }
0x43: {  	_ =	shalt  }
0x44: {  	_ =	shalt  }
0x45: {  	_ =	shalt  }
0x46: {  	_ =	shalt  }
0x47: {  	_ =	shalt  }
0x48: {  	_ =	shalt  }
0x49: {  	_ =	shalt  }
0x4a: {  	_ =	shalt  }
0x4b: {  	_ =	shalt  }
0x4c: {  	_ =	shalt  }
0x4d: {  	_ =	shalt  }
0x4e: {  	_ =	shalt  }
0x4f: {  	_ =	shalt  }
0x50: {  	_ =	shalt  }
0x51: {  	_ =	shalt  }
0x52: {  	_ =	shalt  }
0x53: {  	_ =	shalt  }
0x54: {  	_ =	shalt  }
0x55: {  	_ =	shalt  }
0x56: {  	_ =	shalt  }
0x57: {  	_ =	shalt  }
0x58: {  	_ =	shalt  }
0x59: {  	_ =	shalt  }
0x5a: {  	_ =	shalt  }
0x5b: {  	_ =	shalt  }
0x5c: {  	_ =	shalt  }
0x5d: {  	_ =	shalt  }
0x5e: {  	_ =	shalt  }
0x5f: {  	_ =	shalt  }
0x60: {  	_ =	shalt  }
0x61: {  	_ =	shalt  }
0x62: {  	_ =	shalt  }
0x63: {  	_ =	shalt  }
0x64: {  	_ =	shalt  }
0x65: {  	_ =	shalt  }
0x66: {  	_ =	shalt  }
0x67: {  	_ =	shalt  }
0x68: {  	_ =	shalt  }
0x69: {  	_ =	shalt  }
0x6a: {  	_ =	shalt  }
0x6b: {  	_ =	shalt  }
0x6c: {  	_ =	shalt  }
0x6d: {  	_ =	shalt  }
0x6e: {  	_ =	shalt  }
0x6f: {  	_ =	shalt  }
0x70: {  	_ =	shalt  }
0x71: {  	_ =	shalt  }
0x72: {  	_ =	shalt  }
0x73: {  	_ =	shalt  }
0x74: {  	_ =	shalt  }
0x75: {  	_ =	shalt  }
0x76: {  	_ =	shalt  }
0x77: {  	_ =	shalt  }
0x78: {  	_ =	shalt  }
0x79: {  	_ =	shalt  }
0x7a: {  	_ =	shalt  }
0x7b: {  	_ =	shalt  }
0x7c: {  	_ =	shalt  }
0x7d: {  	_ =	shalt  }
0x7e: {  	_ =	shalt  }
0x7f: {  	_ =	shalt  }
0x80: {  	_ =	shalt  }
0x81: {  	_ =	shalt  }
0x82: {  	_ =	shalt  }
0x83: {  	_ =	shalt  }
0x84: {  	_ =	shalt  }
0x85: {  	_ =	shalt  }
0x86: {  	_ =	shalt  }
0x87: {  	_ =	shalt  }
.Lfunc_end0:
.L_simem_size_0:
called_computation_lowered:
.L_overlay_start_0:
0x88: {  	s2 =	sld [smem:$0x3FD9]  }
0x89: {  	s3 =	sld [smem:$0x3FFE];
	_ =	sdelay $0x1  }
0x8a: {  	s1 =	srdreg.scid  }
0x8b: {  	s0 =	sand.u32 $0x1, s1  }
0x8c: {  	s15 =	sshll.u32 s0, $0xA;
	s2 =	sadd.s32 s3, s2  }
0x8d: {  	s2 =	sadd.s32 s2, s15  }
0x8e: {  	[smem:$0x3FC4] =	sst s2  }
0x8f: {  	_ = 	snop  }
0x90: {  	s2 =	sld [smem:$0x3FC9]  }
0x91: {  	s16 =	sld [smem:$0x3FD0]  }
0x92: {  	s4 =	sld [smem:$0x3FC8]  }
0x93: {  	s5 =	sld [smem:$0x3FC7]  }
0x94: {  	s7 =	simm.s32 $0xA;
	s8 =	simm.s32 $0x10;
	s6 =	sld [smem:$0x3FC6]  }
0x95: {  	[smem:s8], [sflag:s7] =	dma.local [hbm:s16], $0x1  }
0x96: {  	_ =	swait.eq [sflag:s7], $0x1  }
0x97: {  	[sflag:s7] =	ssyncset.done $0x0  }
0x98: {  	s17 =	sld [smem:$0x10];
	[sflag:s7] =	ssyncadd.s32 $0xFFFFFFFF  }
0x99: {  	s18 =	sld [smem:$0x11];
	(tm) =	ssettm $0x1  }
0x9a: {  	s19 =	sld [smem:$0x3FFB];
	_ =	sdelay $0x3  }
0x9b: {  	_ =	strace s19  }
0x9c: {  	s8 =	sld [smem:$0x3FFC];
	_ =	sdelay $0x3  }
0x9d: {  	_ =	strace s8  }
0x9e: {  	s8 =	sld [smem:$0x3FFD];
	_ =	sdelay $0x3  }
0x9f: {  	_ =	strace s8  }
0xa0: {  	_ =	strace $0x8FFFFFFF  }
0xa1: {  	s20 =	sld [smem:$0x3FDB];
	_ =	sdelay $0x1  }
0xa2: {  	s9 =	simm.s32 $_scs_section_size  }
0xa3: {  	s10 =	simm.s32 $_size__tile_overlayer_lowered;
	s11 =	simm.s32 $_tile_overlayer_lowered  }
0xa4: {  	s23 =	simm.s32 $0x1BFF;
	s22 =	sshll.u32 s11, $0x1;
	s8 =	sadd.s32 s9, s20  }
0xa5: {  	s12 =	simm.s32 $0x0;
	s21 =	sshll.u32 s10, $0x1;
	s10 =	sadd.s32 s22, s8  }
0xa6: {  	[timem:s12], [sflag:s23] =	dma.local [hbm:s10], s21  }
0xa7: {  	_ =	swait.ge [sflag:s23], s21  }
0xa8: {  	s9 =	ssub.s32 $0x0, s21;
	[sflag:s23] =	ssyncset.done $0x0  }
0xa9: {  	[sflag:s23] =	ssyncadd.s32 s9;
	_ =	sdelay $0x1  }
0xaa: {  	s24 =	simm.s32 $0x1B8B  }
0xab: {  	_ =	swait.ge [sflag:s24], $0x1  }
0xac: {  	[sflag:s24] =	ssyncset.done $0x0  }
0xad: {  	s25 =	simm.s32 $0x1B8E;
	[sflag:s24] =	ssyncadd.s32 $0xFFFFFFFF  }
0xae: {  	s26 =	simm.s32 $execute0_lowered;
	[smem:$0x3FD2] =	sst s25  }
0xaf: {  	s9 =	sshll.u32 s26, $0x1;
	_ =	strace $0x80000046;
	[dreg:$0x1] =	wrdreg $0xFFFFFFFF  }
0xb0: {  	s28 =	simm.s32 $_size_execute0_lowered;
	s8 =	sadd.s32 s8, s9;
	[dreg:$0x0] =	wrdreg $0x0  }
0xb1: {  	s9 =	sshll.u32 s28, $0x1;
	[dreg:$0x2] =	wrdreg s8  }
0xb2: {  	[dreg:$0x3] =	wrdreg s9  }
0xb3: {  	[dreg:$0x4] =	wrdreg $0xC0  }
0xb4: {  	_ =	task [dreg:s12], $0x5FFFF  }
0xb5: {  	[dreg:$0x1] =	wrdreg $0xFFFFFFFF  }
0xb6: {  	[dreg:$0x0] =	wrdreg $0x60  }
0xb7: {  	[dreg:$0x2] =	wrdreg s2  }
0xb8: {  	[dreg:$0x3] =	wrdreg s4  }
0xb9: {  	[dreg:$0x4] =	wrdreg s5  }
0xba: {  	[dreg:$0x5] =	wrdreg s6  }
0xbb: {  	[dreg:$0x6] =	wrdreg s17  }
0xbc: {  	[dreg:$0x7] =	wrdreg s18  }
0xbd: {  	[dreg:$0x8] =	wrdreg $0x9  }
0xbe: {  	_ =	task.clear_ibuf [dreg:s12], $0x9FFFF;
	_ =	strace $0x90000046  }
0xbf: {  	s29 =	simm.s32 $0x9;
	_ =	strace $0x80000048  }
0xc0: {  	_ =	swait.ge [sflag:s29], $0x1  }
0xc1: {  	[sflag:s29] =	ssyncadd.s32 $0xFFFFFFFF  }
0xc2: {  	_ =	strace $0x90000048  }
0xc3: {  	_ =	sfence  }
0xc4: {  	s30 =	sld [smem:$0x0];
	_ =	sdelay $0x2  }
0xc5: {  	s31 =	sshll.u32 s1, $0xD;
	s1 =	sshrl.u32 s1, $0x2  }
0xc6: {  	s3 =	sand.u32 $0x4000, s31;
	s1 =	sadd.s32 s1, s30  }
0xc7: {  	s0 =	sor.u32 s3, s0;
	s1 =	sshll.u32 s1, $0x11  }
0xc8: {  	s0 =	sor.u32 s1, s0  }
0xc9: {  	s0 =	sadd.s32 $0x8F2B, s0  }
0xca: {  	[sflag:s0] =	ssyncadd.remote.s32 $0x1  }
0xcb: {  	_ =	sfence.sel $0xFFFF  }
0xcc: {  	[dreg:$0x0] =	wrdreg $0xFFFFFFFF;
	(pc) =	sbr.abs _section_cstart, $3  }
0xcd: {  	[dreg:$0x1] =	wrdreg $0xFFFFFFFF  }
0xce: {  	_ =	task.clear_ibuf [dreg:s12], $0x2FFFF;
	_ =	strace $0x9FFFFFFF  }
0xcf: {  	(tm) =	ssettm $0x7FFFFFFF  }
tec
execute0_lowered:
.L_overlay_start_1:
0x0: {  	(tag) =	ssettag $0x1  }
0x1: {  	s5 =	rddreg [dreg:$0x0]  }
0x2: {  	s6 =	rddreg [dreg:$0x1]  }
0x3: {  	s1 =	rddreg [dreg:$0x2]  }
0x4: {  	s3 =	rddreg [dreg:$0x3]  }
0x5: {  	s24 =	rddreg [dreg:$0x4];
	s4 =	srdreg.scid  }
0x6: {  	s26 =	rddreg [dreg:$0x5];
	s2 =	stileid.u32;
	s28 =	sand.u32 $0x1, s4  }
0x7: {  	s4 =	simm.s32 $0x0;
	s7 =	sshll.u32 s2, $0x7;
	s8 =	sshll.u32 s28, $0x6  }
0x8: {  	[smem:$0x7FF] =	sst s4;
	s29 =	sor.u32 s8, s7  }
0x9: {  	s0 =	rddreg [dreg:$0x6];
	_ =	strace $0x80000047;
	s5 =	sadd.s32 s5, s29  }
0xa: {  	[tilespmem:s4], [sflag:$0x1] =	stream.linear.gather [hbm4b:s5+s4], $0x200, $0x38;
	[tilespmem:$0x800] =	vst v63  }
0xb: {  	s7 =	simm.s32 $0x200;
	s8 =	simm.s32 $0x1;
	s6 =	sadd.s32 s6, s29  }
0xc: {  	[tilespmem:s7], [sflag:$0x1] =	stream.linear.gather [hbm4b:s6+s4], $0x200, $0x38;
	[tilespmem:$0x800] =	vst v63  }
0xd: {  	_ =	swait.ge [sflag:s8], $0x200  }
0xe: {  	[sflag:s8] =	ssyncset.done $0x0  }
0xf: {  	s9 =	simm.s32 $0x80;
	s10 =	simm.s32 $0x400;
	[sflag:s8] =	ssyncadd.s32 $0xFFFFFE00  }
0x10: {  	[tilespmem:s10], [sflag:$0x2] =	stream.indirect.gather [hbm4b:s1+s9], $0x1, s4, s9, $0xb8;
	[tilespmem:$0x800] =	vst v63  }
0x11: {  	s11 =	simm.s32 $0x480  }
0x12: {  	[tilespmem:s11], [sflag:$0x2] =	stream.indirect.gather [hbm4b:s1+s9], $0x1, s9, s9, $0xb8;
	[tilespmem:$0x800] =	vst v63  }
0x13: {  	s12 =	simm.s32 $0x100;
	s13 =	simm.s32 $0x500  }
0x14: {  	[tilespmem:s13], [sflag:$0x2] =	stream.indirect.gather [hbm4b:s1+s9], $0x1, s12, s9, $0xb8;
	[tilespmem:$0x800] =	vst v63  }
0x15: {  	s14 =	simm.s32 $0x180;
	s15 =	simm.s32 $0x580  }
0x16: {  	[tilespmem:s15], [sflag:$0x2] =	stream.indirect.gather [hbm4b:s1+s9], $0x1, s14, s9, $0xb8;
	[tilespmem:$0x800] =	vst v63  }
0x17: {  	_ =	swait.ge [sflag:s8], $0x200  }
0x18: {  	[sflag:s8] =	ssyncset.done $0x0  }
0x19: {  	s16 =	simm.s32 $0x600;
	[sflag:s8] =	ssyncadd.s32 $0xFFFFFE00  }
0x1a: {  	[tilespmem:s16], [sflag:$0x3] =	stream.indirect.gather [hbm4b:s3+s9], $0x1, s7, s9, $0xb8;
	[tilespmem:$0x800] =	vst v63  }
0x1b: {  	s17 =	simm.s32 $0x280;
	s18 =	simm.s32 $0x680  }
0x1c: {  	[tilespmem:s18], [sflag:$0x3] =	stream.indirect.gather [hbm4b:s3+s9], $0x1, s17, s9, $0xb8;
	[tilespmem:$0x800] =	vst v63  }
0x1d: {  	s19 =	simm.s32 $0x300;
	s20 =	simm.s32 $0x700  }
0x1e: {  	[tilespmem:s20], [sflag:$0x3] =	stream.indirect.gather [hbm4b:s3+s9], $0x1, s19, s9, $0xb8;
	[tilespmem:$0x800] =	vst v63  }
0x1f: {  	s21 =	simm.s32 $0x380;
	s22 =	simm.s32 $0x780;
	s23 =	simm.s32 $0x2  }
0x20: {  	[tilespmem:s22], [sflag:$0x3] =	stream.indirect.gather [hbm4b:s3+s9], $0x1, s21, s9, $0xb8;
	[tilespmem:$0x800] =	vst v63  }
0x21: {  	_ =	swait.ge [sflag:s23], $0x80  }
0x22: {  	[sflag:s23] =	ssyncset.done $0x0  }
0x23: {  	[sflag:s23] =	ssyncadd.s32 $0xFFFFFF80  }
0x24: {  	_ =	swait.ge [sflag:s23], $0x80  }
0x25: {  	[sflag:s23] =	ssyncset.done $0x0  }
0x26: {  	[sflag:s23] =	ssyncadd.s32 $0xFFFFFF80  }
0x27: {  	_ =	swait.ge [sflag:s23], $0x80  }
0x28: {  	[sflag:s23] =	ssyncset.done $0x0  }
0x29: {  	[sflag:s23] =	ssyncadd.s32 $0xFFFFFF80  }
0x2a: {  	_ =	swait.ge [sflag:s23], $0x80  }
0x2b: {  	[sflag:s23] =	ssyncset.done $0x0  }
0x2c: {  	s25 =	simm.s32 $0x3;
	s24 =	sadd.s32 s24, s29;
	[sflag:s23] =	ssyncadd.s32 $0xFFFFFF80  }
0x2d: {  	[hbm4b:s24+s4] =	stream.linear.scatter [tilespmem:s10], [sflag:$0x4], $0x200, $0x38;
	[tilespmem:$0x800] =	vst v63  }
0x2e: {  	_ =	swait.ge [sflag:s25], $0x80  }
0x2f: {  	[sflag:s25] =	ssyncset.done $0x0  }
0x30: {  	[sflag:s25] =	ssyncadd.s32 $0xFFFFFF80  }
0x31: {  	_ =	swait.ge [sflag:s25], $0x80  }
0x32: {  	[sflag:s25] =	ssyncset.done $0x0  }
0x33: {  	[sflag:s25] =	ssyncadd.s32 $0xFFFFFF80  }
0x34: {  	_ =	swait.ge [sflag:s25], $0x80  }
0x35: {  	s26 =	sadd.s32 s26, s29;
	s29 =	ssub.s32 $0x2, s28;
	[sflag:s25] =	ssyncset.done $0x0  }
0x36: {  	s30 =	sshrl.u32 s29, $0x1;
	[sflag:s25] =	ssyncadd.s32 $0xFFFFFF80  }
0x37: {  	s29 =	ssub.s32 s29, s30;
	_ =	swait.ge [sflag:s25], $0x80  }
0x38: {  	s29 =	smax.u32 s29, $0x1;
	[sflag:s25] =	ssyncset.done $0x0  }
0x39: {  	s28 =	simm.s32 $0x4;
	p0 =	sne.s32 s29, $0x1;
	[sflag:s25] =	ssyncadd.s32 $0xFFFFFF80  }
0x3a: {  	[hbm4b:s26+s4] =	stream.linear.scatter [tilespmem:s16], [sflag:$0x4], $0x200, $0x38;
	[tilespmem:$0x800] =	vst v63  }
.Ltmp0:
0x3b: {  	_ =	swait.ge [sflag:s28], $0x200;
	(pc) =	sbr.rel @!p0 .LBB2_2-.Ltmp0, $4  }
0x3c: {  	[sflag:s28] =	ssyncset.done $0x0  }
0x3d: {  	[sflag:s28] =	ssyncadd.s32 $0xFFFFFE00  }
0x3e: {  	_ =	swait.ge [sflag:s28], $0x200  }
0x3f: {  	s29 =	sadd.s32 $0xFFFFFFFF, s29;
	[sflag:s28] =	ssyncset.done $0x0  }
.LBB2_1:
0x40: {  	p0 =	sne.s32 s29, $0x1;
	s29 =	sadd.s32 $0xFFFFFFFF, s29;
	[sflag:s28] =	ssyncadd.s32 $0xFFFFFE00  }
0x41: {  	[tilespmem:s4], [sflag:$0x1] =	stream.linear.gather [hbm4b:s5+s4], $0x200, $0x38;
	[tilespmem:$0x800] =	vst v63  }
0x42: {  	_ = 	snop  }
0x43: {  	[tilespmem:s7], [sflag:$0x1] =	stream.linear.gather [hbm4b:s6+s4], $0x200, $0x38;
	[tilespmem:$0x800] =	vst v63  }
0x44: {  	_ =	swait.ge [sflag:s8], $0x200  }
0x45: {  	[sflag:s8] =	ssyncset.done $0x0  }
0x46: {  	[sflag:s8] =	ssyncadd.s32 $0xFFFFFE00  }
0x47: {  	[tilespmem:s10], [sflag:$0x2] =	stream.indirect.gather [hbm4b:s1+s9], $0x1, s4, s9, $0xb8;
	[tilespmem:$0x800] =	vst v63  }
0x48: {  	_ = 	snop  }
0x49: {  	[tilespmem:s11], [sflag:$0x2] =	stream.indirect.gather [hbm4b:s1+s9], $0x1, s9, s9, $0xb8;
	[tilespmem:$0x800] =	vst v63  }
0x4a: {  	_ = 	snop  }
0x4b: {  	[tilespmem:s13], [sflag:$0x2] =	stream.indirect.gather [hbm4b:s1+s9], $0x1, s12, s9, $0xb8;
	[tilespmem:$0x800] =	vst v63  }
0x4c: {  	_ = 	snop  }
0x4d: {  	[tilespmem:s15], [sflag:$0x2] =	stream.indirect.gather [hbm4b:s1+s9], $0x1, s14, s9, $0xb8;
	[tilespmem:$0x800] =	vst v63  }
0x4e: {  	_ =	swait.ge [sflag:s8], $0x200  }
0x4f: {  	[sflag:s8] =	ssyncset.done $0x0  }
0x50: {  	[sflag:s8] =	ssyncadd.s32 $0xFFFFFE00  }
0x51: {  	[tilespmem:s16], [sflag:$0x3] =	stream.indirect.gather [hbm4b:s3+s9], $0x1, s7, s9, $0xb8;
	[tilespmem:$0x800] =	vst v63  }
0x52: {  	_ = 	snop  }
0x53: {  	[tilespmem:s18], [sflag:$0x3] =	stream.indirect.gather [hbm4b:s3+s9], $0x1, s17, s9, $0xb8;
	[tilespmem:$0x800] =	vst v63  }
0x54: {  	_ = 	snop  }
0x55: {  	[tilespmem:s20], [sflag:$0x3] =	stream.indirect.gather [hbm4b:s3+s9], $0x1, s19, s9, $0xb8;
	[tilespmem:$0x800] =	vst v63  }
0x56: {  	_ = 	snop  }
0x57: {  	[tilespmem:s22], [sflag:$0x3] =	stream.indirect.gather [hbm4b:s3+s9], $0x1, s21, s9, $0xb8;
	[tilespmem:$0x800] =	vst v63  }
0x58: {  	_ =	swait.ge [sflag:s23], $0x80  }
0x59: {  	[sflag:s23] =	ssyncset.done $0x0  }
0x5a: {  	[sflag:s23] =	ssyncadd.s32 $0xFFFFFF80  }
0x5b: {  	_ =	swait.ge [sflag:s23], $0x80  }
0x5c: {  	[sflag:s23] =	ssyncset.done $0x0  }
0x5d: {  	[sflag:s23] =	ssyncadd.s32 $0xFFFFFF80  }
0x5e: {  	_ =	swait.ge [sflag:s23], $0x80  }
0x5f: {  	[sflag:s23] =	ssyncset.done $0x0  }
0x60: {  	[sflag:s23] =	ssyncadd.s32 $0xFFFFFF80  }
0x61: {  	_ =	swait.ge [sflag:s23], $0x80  }
0x62: {  	[sflag:s23] =	ssyncset.done $0x0  }
0x63: {  	[sflag:s23] =	ssyncadd.s32 $0xFFFFFF80  }
0x64: {  	[hbm4b:s24+s4] =	stream.linear.scatter [tilespmem:s10], [sflag:$0x4], $0x200, $0x38;
	[tilespmem:$0x800] =	vst v63  }
0x65: {  	_ =	swait.ge [sflag:s25], $0x80  }
0x66: {  	[sflag:s25] =	ssyncset.done $0x0  }
0x67: {  	[sflag:s25] =	ssyncadd.s32 $0xFFFFFF80  }
0x68: {  	_ =	swait.ge [sflag:s25], $0x80  }
0x69: {  	[sflag:s25] =	ssyncset.done $0x0  }
0x6a: {  	[sflag:s25] =	ssyncadd.s32 $0xFFFFFF80  }
0x6b: {  	_ =	swait.ge [sflag:s25], $0x80  }
0x6c: {  	[sflag:s25] =	ssyncset.done $0x0  }
0x6d: {  	[sflag:s25] =	ssyncadd.s32 $0xFFFFFF80  }
0x6e: {  	_ =	swait.ge [sflag:s25], $0x80  }
0x6f: {  	[sflag:s25] =	ssyncset.done $0x0  }
0x70: {  	[sflag:s25] =	ssyncadd.s32 $0xFFFFFF80  }
0x71: {  	[hbm4b:s26+s4] =	stream.linear.scatter [tilespmem:s16], [sflag:$0x4], $0x200, $0x38;
	[tilespmem:$0x800] =	vst v63  }
.Ltmp1:
0x72: {  	_ =	swait.ge [sflag:s28], $0x200;
	(pc) =	sbr.rel @p0 .LBB2_1-.Ltmp1, $4  }
0x73: {  	[sflag:s28] =	ssyncset.done $0x0  }
0x74: {  	[sflag:s28] =	ssyncadd.s32 $0xFFFFFE00  }
0x75: {  	_ =	swait.ge [sflag:s28], $0x200  }
0x76: {  	[sflag:s28] =	ssyncset.done $0x0  }
.LBB2_2:
0x77: {  	[sflag:s28] =	ssyncadd.s32 $0xFFFFFE00  }
0x78: {  	_ =	sfence.sel $0x180000  }
0x79: {  	[bflag:$0x0] =	sbarrier.arrive $0xFFFF  }
0x7a: {  	p0 =	sne.s32 s2, $0x0;
	_ =	strace $0x90000047  }
0x7b: {  	s0 =	sadd.s32 @!p0 $0x100000, s0;
	[bflag:$0x2] =	sbarrier.arrive $0xFFFF  }
0x7c: {  	[sflag:s0] =	ssyncadd.tile.s32 @!p0 $0x1;
	_ =	shalt  }
.Lfunc_end2:
_tile_overlayer_lowered:
.L_overlay_start_2:
0x7d: {  	(tag) =	ssettag $0x2  }
0x7e: {  	s0 =	rddreg [dreg:$0x0];
	s2 =	stileid.u32  }
0x7f: {  	s1 =	rddreg [dreg:$0x1];
	p0 =	sne.s32 s2, $0x0  }
0x80: {  	s3 =	rddreg [dreg:$0x2];
	[bflag:$0x3] =	sbarrier.arrive $0xFFFF;
	s2 =	simm.s32 @!p0 $0x1C05  }
0x81: {  	[timem:s3], [sflag:s2] =	dma.local @!p0 [hbm:s0], s1  }
0x82: {  	s0 =	simm.s32 @!p0 $0x5  }
0x83: {  	_ =	swait.ge @!p0 [sflag:s0], s1  }
0x84: {  	s1 =	ssub.s32 @!p0 $0x0, s1;
	[sflag:s0] =	ssyncset.done @!p0 $0x0  }
0x85: {  	[sflag:s0] =	ssyncadd.s32 @!p0 s1  }
0x86: {  	[bflag:$0x3] =	sbarrier.arrive $0xFFFF  }
0x87: {  	_ =	shalt  }

</sc_bundles>
